<compile_context>
chip_gen: v7x
topology: tpu7x:2x2x1
jax: 0.10.2.dev20260603
libtpu: 0.0.44.dev20260713+nightly
codegen_flags: <defaults>
</compile_context>

<pallas_src>
import functools

import jax
import jax.numpy as jnp
from jax.experimental import pallas as pl
from jax.experimental.pallas import tpu as pltpu
from jax.experimental.pallas import tpu_sc as plsc

NUM_EMBEDDINGS = 1024
EMBEDDING_DIM = 64
COMMITMENT_COST = 0.25


_BM = 2048


def _dist_argmin_body(xt_ref, w_ref, wm2_ref, idx_ref, loss_ref):
    w = w_ref[...]
    w2 = jnp.sum(w * w, axis=1, keepdims=True)
    loss_part = jnp.float32(0.0)
    mnegs = [
        jax.lax.dot_general(wm2_ref[...], xt_ref[p],
                            (((1,), (0,)), ((), ())),
                            preferred_element_type=jnp.float32)
        for p in range(_PLANES)
    ]
    for p in range(_PLANES):
        xt = xt_ref[p]
        x2 = jnp.sum(xt * xt, axis=0, keepdims=True)
        dist = (x2 + mnegs[p]) + w2
        minval = jnp.min(dist, axis=0, keepdims=True)
        iota = jax.lax.broadcasted_iota(
            jnp.int32, dist.shape, 0).astype(jnp.float32)
        cand = jnp.where(dist == minval, iota, jnp.float32(NUM_EMBEDDINGS))
        idxf = jnp.min(cand, axis=0, keepdims=True)
        idx_ref[0, p] = idxf.astype(jnp.int32).reshape(8, 128)
        loss_part += jnp.sum(minval)

    @pl.when(pl.program_id(0) == 0)
    def _init():
        loss_ref[...] = jnp.zeros_like(loss_ref)

    loss_ref[...] += loss_part.reshape(1, 1)


_PLANES = 2


def _dist_argmin(tokens_t, W, Wm2):
    B, D, K = tokens_t.shape
    n = B * K
    grid = (B // _PLANES,)
    idx, loss = pl.pallas_call(
        _dist_argmin_body,
        grid=grid,
        in_specs=[
            pl.BlockSpec((_PLANES, D, K), lambda i: (i, 0, 0)),
            pl.BlockSpec((NUM_EMBEDDINGS, EMBEDDING_DIM), lambda i: (0, 0)),
            pl.BlockSpec((NUM_EMBEDDINGS, EMBEDDING_DIM), lambda i: (0, 0)),
        ],
        out_specs=[
            pl.BlockSpec((1, _PLANES, 8, 128), lambda i: (i, 0, 0, 0)),
            pl.BlockSpec((1, 1), lambda i: (0, 0)),
        ],
        out_shape=[
            jax.ShapeDtypeStruct((B // _PLANES, _PLANES, 8, 128), jnp.int32),
            jax.ShapeDtypeStruct((1, 1), jnp.float32),
        ],
    )(tokens_t, W, Wm2)
    return idx, loss[0, 0]



_NW = 32
_CHUNK = 128
_ROW = 128


def _gather_rows(W_pad, idx4):
    steps, planes, _, _ = idx4.shape
    n = steps * planes * 1024
    b_per_w = n // _NW
    nch = b_per_w // _CHUNK
    mesh = plsc.VectorSubcoreMesh(core_axis_name="c", subcore_axis_name="s")

    @functools.partial(
        pl.kernel,
        mesh=mesh,
        out_type=jax.ShapeDtypeStruct((n, _ROW), jnp.float32),
        scratch_types=[
            pltpu.VMEM((nch, _CHUNK), jnp.int32),
            pltpu.VMEM((b_per_w, _ROW), jnp.float32),
            pltpu.VMEM_SHARED((NUM_EMBEDDINGS, _ROW), jnp.float32),
            pltpu.SemaphoreType.DMA,
        ],
    )
    def _k(table_hbm, idx_hbm, out_hbm, idx_v, rows_v, table_sp, sem):
        sid = jax.lax.axis_index("s")
        wid = sid * 2 + jax.lax.axis_index("c")
        base = wid * b_per_w
        @pl.when(sid == 0)
        def _load():
            pltpu.sync_copy(table_hbm, table_sp)

        g = wid // 2
        s = g // planes
        p = g % planes
        h = wid % 2
        pltpu.sync_copy(idx_hbm.at[s, p, pl.ds(h * nch, nch)], idx_v)
        plsc.subcore_barrier()
        gathers = [
            pltpu.async_copy(
                table_sp.at[idx_v.at[j]],
                rows_v.at[pl.ds(j * _CHUNK, _CHUNK)],
                sem,
            )
            for j in range(nch)
        ]
        for g in gathers:
            g.wait()
        pltpu.sync_copy(rows_v, out_hbm.at[pl.ds(base, b_per_w)])

    return _k(W_pad, idx4)


def kernel(tokens, W):
    B, K, D = tokens.shape
    n = B * K
    W_pad = jnp.pad(W, ((0, 0), (0, _ROW - D)))
    idx4, loss_sum = _dist_argmin(jnp.swapaxes(tokens, 1, 2), W, -2.0 * W)
    idx = idx4.reshape(n)
    q_st = _gather_rows(W_pad, idx4)[:, :D]
    vq_loss = (1.0 + COMMITMENT_COST) * loss_sum / (n * D)
    return (q_st.reshape(B, K, D), vq_loss, idx.reshape(B, K))

# --- scband reference (transcript-rebuilt; emitter-appended) ---
"""Pipeline reference for scband-vector-quantizer-592705487401 (READ-ONLY COPY).

The authoritative reference and input builder live on the scoring server;
editing this copy changes nothing except your own understanding.
"""

import jax, jax.numpy as jnp
import numpy as np

NUM_EMBEDDINGS = 1024
EMBEDDING_DIM = 64
COMMITMENT_COST = 0.25


def setup_inputs(seed: int = 0) -> dict:
    key = jax.random.key(seed)
    k1, k2 = jax.random.split(key)
    tokens = jax.random.normal(k1, (16, 1024, 64), dtype=jnp.float32)
    bound = 1.0 / NUM_EMBEDDINGS
    W = jax.random.uniform(k2, (NUM_EMBEDDINGS, EMBEDDING_DIM), dtype=jnp.float32, minval=-bound, maxval=bound)
    return {"tokens": tokens, "W": W}


def reference(tokens, W):
    B, K, D = tokens.shape
    flat = tokens.reshape(-1, D)
    # squared-euclidean distances: ||x||^2 - 2 x W^T + ||w||^2
    dist = (jnp.sum(flat ** 2, axis=1, keepdims=True)
            - 2.0 * flat @ W.T
            + jnp.sum(W ** 2, axis=1))
    idx = jnp.argmin(dist, axis=1)
    q = jnp.take(W, idx, axis=0)
    codebook_loss = jnp.mean((jax.lax.stop_gradient(q) - flat) ** 2)
    commit_loss = jnp.mean((q - jax.lax.stop_gradient(flat)) ** 2)
    vq_loss = COMMITMENT_COST * codebook_loss + commit_loss
    # straight-through estimator
    q_st = flat + jax.lax.stop_gradient(q - flat)
    return (q_st.reshape(B, K, D), vq_loss, idx.reshape(B, K))

if __name__ == "__main__":
    import jax
    _d = setup_inputs()
    print(jax.jit(kernel)(*tuple(_d.values())))

</pallas_src>

<mosaic_0001>
#map = affine_map<(d0, d1) -> (0, 0)>
#map1 = affine_map<(d0, d1) -> (0, 0, 0, 0)>
module attributes {stable_mosaic.version = 14 : i64} {
  func.func @_k(%arg0: i32, %arg1: i32, %arg2: memref<1024x128xf32, #tpu.memory_space<hbm>>, %arg3: memref<8x2x8x128xi32, #tpu.memory_space<hbm>>, %arg4: memref<16384x128xf32, #tpu.memory_space<hbm>>, %arg5: memref<4x128xi32, #tpu.memory_space<vmem>>, %arg6: memref<512x128xf32, #tpu.memory_space<vmem>>, %arg7: memref<1024x128xf32, #tpu.memory_space<vmem_shared>>, %arg8: memref<!tpu.dma_semaphore, #tpu.memory_space<semaphore_mem>>) attributes {dimension_semantics = [#tpu.dimension_semantics<core_parallel>, #tpu.dimension_semantics<subcore_parallel>], iteration_bounds = array<i64: 2, 16>, scalar_prefetch = 0 : i64, scratch_operands = 4 : i64, tpu.core_type = #tpu.core_type<sc_vector_subcore>, window_params = [{transform_indices = #map}, {transform_indices = #map1}, {transform_indices = #map}]} {
    %mul3A = arith.constant 2 : i32
    %mul3A_0 = arith.muli %arg1, %mul3A : i32
    %add3A = arith.addi %mul3A_0, %arg0 : i32
    %mul3A_1 = arith.constant 512 : i32
    %mul3A_2 = arith.muli %add3A, %mul3A_1 : i32
    %eq3A = arith.constant 0 : i32
    %eq3A_3 = arith.cmpi eq, %arg1, %eq3A : i32
    %convert_element_type3A = arith.extui %eq3A_3 : i1 to i32
    %cond3A = arith.constant 0 : i32
    %cond3A_4 = arith.cmpi ne, %convert_element_type3A, %cond3A : i32
    scf.if %cond3A_4 {
      "tpu.region"() ({
        %run_scoped3A = tpu.sem_alloc : memref<!tpu.dma_semaphore, #tpu.memory_space<semaphore_mem>>
        tpu.enqueue_dma source(%arg2 : memref<1024x128xf32, #tpu.memory_space<hbm>>) target(%arg7 : memref<1024x128xf32, #tpu.memory_space<vmem_shared>>) target_semaphore(%run_scoped3A : memref<!tpu.dma_semaphore, #tpu.memory_space<semaphore_mem>>)
        tpu.wait_dma2 semaphore(%run_scoped3A : memref<!tpu.dma_semaphore, #tpu.memory_space<semaphore_mem>>) src(%arg2 : memref<1024x128xf32, #tpu.memory_space<hbm>>) dst(%arg7 : memref<1024x128xf32, #tpu.memory_space<vmem_shared>>)
        tpu.yield
      }) : () -> ()
    } else {
    }
    %jit3A = arith.constant 2 : i32
    %div3A = arith.divsi %add3A, %jit3A : i32
    %sign3A = arith.constant 0 : i32
    %sign3A_5 = arith.cmpi sgt, %add3A, %sign3A : i32
    %sign3A_6 = arith.extui %sign3A_5 : i1 to i32
    %sign3A_7 = arith.constant 0 : i32
    %sign3A_8 = arith.cmpi slt, %add3A, %sign3A_7 : i32
    %sign3A_9 = arith.extui %sign3A_8 : i1 to i32
    %sign3A_10 = arith.subi %sign3A_6, %sign3A_9 : i32
    %sign3A_11 = arith.constant 0 : i32
    %sign3A_12 = arith.cmpi sgt, %jit3A, %sign3A_11 : i32
    %sign3A_13 = arith.extui %sign3A_12 : i1 to i32
    %sign3A_14 = arith.constant 0 : i32
    %sign3A_15 = arith.cmpi slt, %jit3A, %sign3A_14 : i32
    %sign3A_16 = arith.extui %sign3A_15 : i1 to i32
    %sign3A_17 = arith.subi %sign3A_13, %sign3A_16 : i32
    %ne3A = arith.cmpi ne, %sign3A_10, %sign3A_17 : i32
    %rem3A = arith.remsi %add3A, %jit3A : i32
    %ne3A_18 = arith.constant 0 : i32
    %ne3A_19 = arith.cmpi ne, %rem3A, %ne3A_18 : i32
    %and3A = arith.andi %ne3A, %ne3A_19 : i1
    %sub3A = arith.constant 1 : i32
    %sub3A_20 = arith.subi %div3A, %sub3A : i32
    %select_n3A = arith.select %and3A, %sub3A_20, %div3A : i32
    %jit3A_21 = arith.constant 2 : i32
    %div3A_22 = arith.divsi %select_n3A, %jit3A_21 : i32
    %sign3A_23 = arith.constant 0 : i32
    %sign3A_24 = arith.cmpi sgt, %select_n3A, %sign3A_23 : i32
    %sign3A_25 = arith.extui %sign3A_24 : i1 to i32
    %sign3A_26 = arith.constant 0 : i32
    %sign3A_27 = arith.cmpi slt, %select_n3A, %sign3A_26 : i32
    %sign3A_28 = arith.extui %sign3A_27 : i1 to i32
    %sign3A_29 = arith.subi %sign3A_25, %sign3A_28 : i32
    %sign3A_30 = arith.constant 0 : i32
    %sign3A_31 = arith.cmpi sgt, %jit3A_21, %sign3A_30 : i32
    %sign3A_32 = arith.extui %sign3A_31 : i1 to i32
    %sign3A_33 = arith.constant 0 : i32
    %sign3A_34 = arith.cmpi slt, %jit3A_21, %sign3A_33 : i32
    %sign3A_35 = arith.extui %sign3A_34 : i1 to i32
    %sign3A_36 = arith.subi %sign3A_32, %sign3A_35 : i32
    %ne3A_37 = arith.cmpi ne, %sign3A_29, %sign3A_36 : i32
    %rem3A_38 = arith.remsi %select_n3A, %jit3A_21 : i32
    %ne3A_39 = arith.constant 0 : i32
    %ne3A_40 = arith.cmpi ne, %rem3A_38, %ne3A_39 : i32
    %and3A_41 = arith.andi %ne3A_37, %ne3A_40 : i1
    %sub3A_42 = arith.constant 1 : i32
    %sub3A_43 = arith.subi %div3A_22, %sub3A_42 : i32
    %select_n3A_44 = arith.select %and3A_41, %sub3A_43, %div3A_22 : i32
    %jit3A_45 = arith.constant 2 : i32
    %eq3A_46 = arith.constant 0 : i32
    %eq3A_47 = arith.cmpi eq, %jit3A_45, %eq3A_46 : i32
    %jit3A_48 = arith.constant 1 : i32
    %select_n3A_49 = arith.select %eq3A_47, %jit3A_48, %jit3A_45 : i32
    %rem3A_50 = arith.remsi %select_n3A, %select_n3A_49 : i32
    %ne3A_51 = arith.constant 0 : i32
    %ne3A_52 = arith.cmpi ne, %rem3A_50, %ne3A_51 : i32
    %lt3A = arith.constant 0 : i32
    %lt3A_53 = arith.cmpi slt, %rem3A_50, %lt3A : i32
    %lt3A_54 = arith.constant 0 : i32
    %lt3A_55 = arith.cmpi slt, %select_n3A_49, %lt3A_54 : i32
    %ne3A_56 = arith.xori %lt3A_53, %lt3A_55 : i1
    %and3A_57 = arith.andi %ne3A_56, %ne3A_52 : i1
    %add3A_58 = arith.addi %rem3A_50, %select_n3A_49 : i32
    %select_n3A_59 = arith.select %and3A_57, %add3A_58, %rem3A_50 : i32
    %jit3A_60 = arith.constant 2 : i32
    %eq3A_61 = arith.constant 0 : i32
    %eq3A_62 = arith.cmpi eq, %jit3A_60, %eq3A_61 : i32
    %jit3A_63 = arith.constant 1 : i32
    %select_n3A_64 = arith.select %eq3A_62, %jit3A_63, %jit3A_60 : i32
    %rem3A_65 = arith.remsi %add3A, %select_n3A_64 : i32
    %ne3A_66 = arith.constant 0 : i32
    %ne3A_67 = arith.cmpi ne, %rem3A_65, %ne3A_66 : i32
    %lt3A_68 = arith.constant 0 : i32
    %lt3A_69 = arith.cmpi slt, %rem3A_65, %lt3A_68 : i32
    %lt3A_70 = arith.constant 0 : i32
    %lt3A_71 = arith.cmpi slt, %select_n3A_64, %lt3A_70 : i32
    %ne3A_72 = arith.xori %lt3A_69, %lt3A_71 : i1
    %and3A_73 = arith.andi %ne3A_72, %ne3A_67 : i1
    %add3A_74 = arith.addi %rem3A_65, %select_n3A_64 : i32
    %select_n3A_75 = arith.select %and3A_73, %add3A_74, %rem3A_65 : i32
    %mul3A_76 = arith.constant 4 : i32
    %mul3A_77 = arith.muli %select_n3A_75, %mul3A_76 : i32
    "tpu.region"() ({
      %run_scoped3A = tpu.sem_alloc : memref<!tpu.dma_semaphore, #tpu.memory_space<semaphore_mem>>
      %dma_start3A_156 = arith.constant 0 : i32
      %dma_start3A_157 = tpu.memref_slice %arg3[%select_n3A_44, %select_n3A_59, %mul3A_77, %dma_start3A_156] : memref<8x2x8x128xi32, #tpu.memory_space<hbm>> -> memref<1x1x4x128xi32, #tpu.memory_space<hbm>>
      %dma_start3A_158 = tpu.memref_squeeze %dma_start3A_157 : memref<1x1x4x128xi32, #tpu.memory_space<hbm>> -> memref<4x128xi32, #tpu.memory_space<hbm>>
      %dma_start3A_159 = arith.constant 0 : i32
      %dma_start3A_160 = tpu.memref_slice %arg3[%select_n3A_44, %select_n3A_59, %mul3A_77, %dma_start3A_159] : memref<8x2x8x128xi32, #tpu.memory_space<hbm>> -> memref<1x1x4x128xi32, #tpu.memory_space<hbm>>
      %dma_start3A_161 = tpu.memref_squeeze %dma_start3A_160 : memref<1x1x4x128xi32, #tpu.memory_space<hbm>> -> memref<4x128xi32, #tpu.memory_space<hbm>>
      tpu.enqueue_dma source(%dma_start3A_161 : memref<4x128xi32, #tpu.memory_space<hbm>>) target(%arg5 : memref<4x128xi32, #tpu.memory_space<vmem>>) target_semaphore(%run_scoped3A : memref<!tpu.dma_semaphore, #tpu.memory_space<semaphore_mem>>)
      %dma_wait3A_162 = arith.constant 0 : i32
      %dma_wait3A_163 = tpu.memref_slice %arg3[%select_n3A_44, %select_n3A_59, %mul3A_77, %dma_wait3A_162] : memref<8x2x8x128xi32, #tpu.memory_space<hbm>> -> memref<1x1x4x128xi32, #tpu.memory_space<hbm>>
      %dma_wait3A_164 = tpu.memref_squeeze %dma_wait3A_163 : memref<1x1x4x128xi32, #tpu.memory_space<hbm>> -> memref<4x128xi32, #tpu.memory_space<hbm>>
      %dma_wait3A_165 = arith.constant 0 : i32
      %dma_wait3A_166 = tpu.memref_slice %arg3[%select_n3A_44, %select_n3A_59, %mul3A_77, %dma_wait3A_165] : memref<8x2x8x128xi32, #tpu.memory_space<hbm>> -> memref<1x1x4x128xi32, #tpu.memory_space<hbm>>
      %dma_wait3A_167 = tpu.memref_squeeze %dma_wait3A_166 : memref<1x1x4x128xi32, #tpu.memory_space<hbm>> -> memref<4x128xi32, #tpu.memory_space<hbm>>
      tpu.wait_dma2 semaphore(%run_scoped3A : memref<!tpu.dma_semaphore, #tpu.memory_space<semaphore_mem>>) src(%dma_wait3A_167 : memref<4x128xi32, #tpu.memory_space<hbm>>) dst(%arg5 : memref<4x128xi32, #tpu.memory_space<vmem>>)
      tpu.yield
    }) : () -> ()
    %barrier3A = arith.constant 0 : index
    tpu.barrier barrier_id(%barrier3A)
    %dma_start3A = arith.constant 0 : i32
    %dma_start3A_78 = arith.constant 0 : i32
    %dma_start3A_79 = arith.constant 0 : i32
    %dma_start3A_80 = tpu.memref_slice %arg6[%dma_start3A_78, %dma_start3A_79] : memref<512x128xf32, #tpu.memory_space<vmem>> -> memref<128x128xf32, #tpu.memory_space<vmem>>
    %dma_start3A_81 = arith.constant 0 : i32
    %dma_start3A_82 = tpu.memref_slice %arg5[%dma_start3A, %dma_start3A_81] : memref<4x128xi32, #tpu.memory_space<vmem>> -> memref<1x128xi32, #tpu.memory_space<vmem>>
    %dma_start3A_83 = tpu.memref_squeeze %dma_start3A_82 : memref<1x128xi32, #tpu.memory_space<vmem>> -> memref<128xi32, #tpu.memory_space<vmem>>
    %dma_start3A_84 = arith.constant 0 : i32
    %dma_start3A_85 = arith.constant 0 : i32
    %dma_start3A_86 = tpu.memref_slice %arg7[%dma_start3A_84, %dma_start3A_85] : memref<1024x128xf32, #tpu.memory_space<vmem_shared>> -> memref<1024x128xf32, #tpu.memory_space<vmem_shared>>
    tpu.enqueue_indirect_dma source(%dma_start3A_86 : memref<1024x128xf32, #tpu.memory_space<vmem_shared>>) target(%dma_start3A_80 : memref<128x128xf32, #tpu.memory_space<vmem>>) offsets(%dma_start3A_83 : memref<128xi32, #tpu.memory_space<vmem>>) semaphore(%arg8 : memref<!tpu.dma_semaphore, #tpu.memory_space<semaphore_mem>>)
    %dma_start3A_87 = arith.constant 1 : i32
    %dma_start3A_88 = arith.constant 128 : i32
    %dma_start3A_89 = arith.constant 0 : i32
    %dma_start3A_90 = tpu.memref_slice %arg6[%dma_start3A_88, %dma_start3A_89] : memref<512x128xf32, #tpu.memory_space<vmem>> -> memref<128x128xf32, #tpu.memory_space<vmem>>
    %dma_start3A_91 = arith.constant 0 : i32
    %dma_start3A_92 = tpu.memref_slice %arg5[%dma_start3A_87, %dma_start3A_91] : memref<4x128xi32, #tpu.memory_space<vmem>> -> memref<1x128xi32, #tpu.memory_space<vmem>>
    %dma_start3A_93 = tpu.memref_squeeze %dma_start3A_92 : memref<1x128xi32, #tpu.memory_space<vmem>> -> memref<128xi32, #tpu.memory_space<vmem>>
    %dma_start3A_94 = arith.constant 0 : i32
    %dma_start3A_95 = arith.constant 0 : i32
    %dma_start3A_96 = tpu.memref_slice %arg7[%dma_start3A_94, %dma_start3A_95] : memref<1024x128xf32, #tpu.memory_space<vmem_shared>> -> memref<1024x128xf32, #tpu.memory_space<vmem_shared>>
    tpu.enqueue_indirect_dma source(%dma_start3A_96 : memref<1024x128xf32, #tpu.memory_space<vmem_shared>>) target(%dma_start3A_90 : memref<128x128xf32, #tpu.memory_space<vmem>>) offsets(%dma_start3A_93 : memref<128xi32, #tpu.memory_space<vmem>>) semaphore(%arg8 : memref<!tpu.dma_semaphore, #tpu.memory_space<semaphore_mem>>)
    %dma_start3A_97 = arith.constant 2 : i32
    %dma_start3A_98 = arith.constant 256 : i32
    %dma_start3A_99 = arith.constant 0 : i32
    %dma_start3A_100 = tpu.memref_slice %arg6[%dma_start3A_98, %dma_start3A_99] : memref<512x128xf32, #tpu.memory_space<vmem>> -> memref<128x128xf32, #tpu.memory_space<vmem>>
    %dma_start3A_101 = arith.constant 0 : i32
    %dma_start3A_102 = tpu.memref_slice %arg5[%dma_start3A_97, %dma_start3A_101] : memref<4x128xi32, #tpu.memory_space<vmem>> -> memref<1x128xi32, #tpu.memory_space<vmem>>
    %dma_start3A_103 = tpu.memref_squeeze %dma_start3A_102 : memref<1x128xi32, #tpu.memory_space<vmem>> -> memref<128xi32, #tpu.memory_space<vmem>>
    %dma_start3A_104 = arith.constant 0 : i32
    %dma_start3A_105 = arith.constant 0 : i32
    %dma_start3A_106 = tpu.memref_slice %arg7[%dma_start3A_104, %dma_start3A_105] : memref<1024x128xf32, #tpu.memory_space<vmem_shared>> -> memref<1024x128xf32, #tpu.memory_space<vmem_shared>>
    tpu.enqueue_indirect_dma source(%dma_start3A_106 : memref<1024x128xf32, #tpu.memory_space<vmem_shared>>) target(%dma_start3A_100 : memref<128x128xf32, #tpu.memory_space<vmem>>) offsets(%dma_start3A_103 : memref<128xi32, #tpu.memory_space<vmem>>) semaphore(%arg8 : memref<!tpu.dma_semaphore, #tpu.memory_space<semaphore_mem>>)
    %dma_start3A_107 = arith.constant 3 : i32
    %dma_start3A_108 = arith.constant 384 : i32
    %dma_start3A_109 = arith.constant 0 : i32
    %dma_start3A_110 = tpu.memref_slice %arg6[%dma_start3A_108, %dma_start3A_109] : memref<512x128xf32, #tpu.memory_space<vmem>> -> memref<128x128xf32, #tpu.memory_space<vmem>>
    %dma_start3A_111 = arith.constant 0 : i32
    %dma_start3A_112 = tpu.memref_slice %arg5[%dma_start3A_107, %dma_start3A_111] : memref<4x128xi32, #tpu.memory_space<vmem>> -> memref<1x128xi32, #tpu.memory_space<vmem>>
    %dma_start3A_113 = tpu.memref_squeeze %dma_start3A_112 : memref<1x128xi32, #tpu.memory_space<vmem>> -> memref<128xi32, #tpu.memory_space<vmem>>
    %dma_start3A_114 = arith.constant 0 : i32
    %dma_start3A_115 = arith.constant 0 : i32
    %dma_start3A_116 = tpu.memref_slice %arg7[%dma_start3A_114, %dma_start3A_115] : memref<1024x128xf32, #tpu.memory_space<vmem_shared>> -> memref<1024x128xf32, #tpu.memory_space<vmem_shared>>
    tpu.enqueue_indirect_dma source(%dma_start3A_116 : memref<1024x128xf32, #tpu.memory_space<vmem_shared>>) target(%dma_start3A_110 : memref<128x128xf32, #tpu.memory_space<vmem>>) offsets(%dma_start3A_113 : memref<128xi32, #tpu.memory_space<vmem>>) semaphore(%arg8 : memref<!tpu.dma_semaphore, #tpu.memory_space<semaphore_mem>>)
    %dma_wait3A = arith.constant 0 : i32
    %dma_wait3A_117 = arith.constant 0 : i32
    %dma_wait3A_118 = arith.constant 0 : i32
    %dma_wait3A_119 = tpu.memref_slice %arg6[%dma_wait3A_117, %dma_wait3A_118] : memref<512x128xf32, #tpu.memory_space<vmem>> -> memref<128x128xf32, #tpu.memory_space<vmem>>
    %dma_wait3A_120 = arith.constant 0 : i32
    %dma_wait3A_121 = tpu.memref_slice %arg5[%dma_wait3A, %dma_wait3A_120] : memref<4x128xi32, #tpu.memory_space<vmem>> -> memref<1x128xi32, #tpu.memory_space<vmem>>
    %dma_wait3A_122 = tpu.memref_squeeze %dma_wait3A_121 : memref<1x128xi32, #tpu.memory_space<vmem>> -> memref<128xi32, #tpu.memory_space<vmem>>
    %dma_wait3A_123 = arith.constant 0 : i32
    %dma_wait3A_124 = arith.constant 0 : i32
    %dma_wait3A_125 = tpu.memref_slice %arg7[%dma_wait3A_123, %dma_wait3A_124] : memref<1024x128xf32, #tpu.memory_space<vmem_shared>> -> memref<1024x128xf32, #tpu.memory_space<vmem_shared>>
    tpu.wait_indirect_dma semaphore(%arg8 : memref<!tpu.dma_semaphore, #tpu.memory_space<semaphore_mem>>) src(%dma_wait3A_125 : memref<1024x128xf32, #tpu.memory_space<vmem_shared>>) dst(%dma_wait3A_119 : memref<128x128xf32, #tpu.memory_space<vmem>>)
    %dma_wait3A_126 = arith.constant 1 : i32
    %dma_wait3A_127 = arith.constant 128 : i32
    %dma_wait3A_128 = arith.constant 0 : i32
    %dma_wait3A_129 = tpu.memref_slice %arg6[%dma_wait3A_127, %dma_wait3A_128] : memref<512x128xf32, #tpu.memory_space<vmem>> -> memref<128x128xf32, #tpu.memory_space<vmem>>
    %dma_wait3A_130 = arith.constant 0 : i32
    %dma_wait3A_131 = tpu.memref_slice %arg5[%dma_wait3A_126, %dma_wait3A_130] : memref<4x128xi32, #tpu.memory_space<vmem>> -> memref<1x128xi32, #tpu.memory_space<vmem>>
    %dma_wait3A_132 = tpu.memref_squeeze %dma_wait3A_131 : memref<1x128xi32, #tpu.memory_space<vmem>> -> memref<128xi32, #tpu.memory_space<vmem>>
    %dma_wait3A_133 = arith.constant 0 : i32
    %dma_wait3A_134 = arith.constant 0 : i32
    %dma_wait3A_135 = tpu.memref_slice %arg7[%dma_wait3A_133, %dma_wait3A_134] : memref<1024x128xf32, #tpu.memory_space<vmem_shared>> -> memref<1024x128xf32, #tpu.memory_space<vmem_shared>>
    tpu.wait_indirect_dma semaphore(%arg8 : memref<!tpu.dma_semaphore, #tpu.memory_space<semaphore_mem>>) src(%dma_wait3A_135 : memref<1024x128xf32, #tpu.memory_space<vmem_shared>>) dst(%dma_wait3A_129 : memref<128x128xf32, #tpu.memory_space<vmem>>)
    %dma_wait3A_136 = arith.constant 2 : i32
    %dma_wait3A_137 = arith.constant 256 : i32
    %dma_wait3A_138 = arith.constant 0 : i32
    %dma_wait3A_139 = tpu.memref_slice %arg6[%dma_wait3A_137, %dma_wait3A_138] : memref<512x128xf32, #tpu.memory_space<vmem>> -> memref<128x128xf32, #tpu.memory_space<vmem>>
    %dma_wait3A_140 = arith.constant 0 : i32
    %dma_wait3A_141 = tpu.memref_slice %arg5[%dma_wait3A_136, %dma_wait3A_140] : memref<4x128xi32, #tpu.memory_space<vmem>> -> memref<1x128xi32, #tpu.memory_space<vmem>>
    %dma_wait3A_142 = tpu.memref_squeeze %dma_wait3A_141 : memref<1x128xi32, #tpu.memory_space<vmem>> -> memref<128xi32, #tpu.memory_space<vmem>>
    %dma_wait3A_143 = arith.constant 0 : i32
    %dma_wait3A_144 = arith.constant 0 : i32
    %dma_wait3A_145 = tpu.memref_slice %arg7[%dma_wait3A_143, %dma_wait3A_144] : memref<1024x128xf32, #tpu.memory_space<vmem_shared>> -> memref<1024x128xf32, #tpu.memory_space<vmem_shared>>
    tpu.wait_indirect_dma semaphore(%arg8 : memref<!tpu.dma_semaphore, #tpu.memory_space<semaphore_mem>>) src(%dma_wait3A_145 : memref<1024x128xf32, #tpu.memory_space<vmem_shared>>) dst(%dma_wait3A_139 : memref<128x128xf32, #tpu.memory_space<vmem>>)
    %dma_wait3A_146 = arith.constant 3 : i32
    %dma_wait3A_147 = arith.constant 384 : i32
    %dma_wait3A_148 = arith.constant 0 : i32
    %dma_wait3A_149 = tpu.memref_slice %arg6[%dma_wait3A_147, %dma_wait3A_148] : memref<512x128xf32, #tpu.memory_space<vmem>> -> memref<128x128xf32, #tpu.memory_space<vmem>>
    %dma_wait3A_150 = arith.constant 0 : i32
    %dma_wait3A_151 = tpu.memref_slice %arg5[%dma_wait3A_146, %dma_wait3A_150] : memref<4x128xi32, #tpu.memory_space<vmem>> -> memref<1x128xi32, #tpu.memory_space<vmem>>
    %dma_wait3A_152 = tpu.memref_squeeze %dma_wait3A_151 : memref<1x128xi32, #tpu.memory_space<vmem>> -> memref<128xi32, #tpu.memory_space<vmem>>
    %dma_wait3A_153 = arith.constant 0 : i32
    %dma_wait3A_154 = arith.constant 0 : i32
    %dma_wait3A_155 = tpu.memref_slice %arg7[%dma_wait3A_153, %dma_wait3A_154] : memref<1024x128xf32, #tpu.memory_space<vmem_shared>> -> memref<1024x128xf32, #tpu.memory_space<vmem_shared>>
    tpu.wait_indirect_dma semaphore(%arg8 : memref<!tpu.dma_semaphore, #tpu.memory_space<semaphore_mem>>) src(%dma_wait3A_155 : memref<1024x128xf32, #tpu.memory_space<vmem_shared>>) dst(%dma_wait3A_149 : memref<128x128xf32, #tpu.memory_space<vmem>>)
    "tpu.region"() ({
      %run_scoped3A = tpu.sem_alloc : memref<!tpu.dma_semaphore, #tpu.memory_space<semaphore_mem>>
      %dma_start3A_156 = arith.constant 0 : i32
      %dma_start3A_157 = tpu.memref_slice %arg4[%mul3A_2, %dma_start3A_156] : memref<16384x128xf32, #tpu.memory_space<hbm>> -> memref<512x128xf32, #tpu.memory_space<hbm>>
      %dma_start3A_158 = arith.constant 0 : i32
      %dma_start3A_159 = tpu.memref_slice %arg4[%mul3A_2, %dma_start3A_158] : memref<16384x128xf32, #tpu.memory_space<hbm>> -> memref<512x128xf32, #tpu.memory_space<hbm>>
      tpu.enqueue_dma source(%arg6 : memref<512x128xf32, #tpu.memory_space<vmem>>) target(%dma_start3A_159 : memref<512x128xf32, #tpu.memory_space<hbm>>) target_semaphore(%run_scoped3A : memref<!tpu.dma_semaphore, #tpu.memory_space<semaphore_mem>>)
      %dma_wait3A_160 = arith.constant 0 : i32
      %dma_wait3A_161 = tpu.memref_slice %arg4[%mul3A_2, %dma_wait3A_160] : memref<16384x128xf32, #tpu.memory_space<hbm>> -> memref<512x128xf32, #tpu.memory_space<hbm>>
      %dma_wait3A_162 = arith.constant 0 : i32
      %dma_wait3A_163 = tpu.memref_slice %arg4[%mul3A_2, %dma_wait3A_162] : memref<16384x128xf32, #tpu.memory_space<hbm>> -> memref<512x128xf32, #tpu.memory_space<hbm>>
      tpu.wait_dma2 semaphore(%run_scoped3A : memref<!tpu.dma_semaphore, #tpu.memory_space<semaphore_mem>>) src(%arg6 : memref<512x128xf32, #tpu.memory_space<vmem>>) dst(%dma_wait3A_163 : memref<512x128xf32, #tpu.memory_space<hbm>>)
      tpu.yield
    }) : () -> ()
    return
  }
}

module attributes {stable_mosaic.version = 14 : i64} {
  func.func @_dist_argmin_body(%arg0: i32, %arg1: memref<2x64x1024xf32, #tpu.memory_space<vmem>>, %arg2: memref<1024x64xf32, #tpu.memory_space<vmem>>, %arg3: memref<1024x64xf32, #tpu.memory_space<vmem>>, %arg4: memref<1x2x8x128xi32, #tpu.memory_space<vmem>>, %arg5: memref<1x1xf32, #tpu.memory_space<vmem>>) attributes {dimension_semantics = [#tpu.dimension_semantics<arbitrary>], iteration_bounds = array<i64: 8>, scalar_prefetch = 0 : i64, scratch_operands = 0 : i64, tpu.core_type = #tpu.core_type<tc>, window_params = [{transform_indices = @transform_0, window_bounds = array<i64: 2, 64, 1024>}, {pipeline_mode = #tpu.pipeline_mode<synchronous>, transform_indices = @transform_1, window_bounds = array<i64: 1024, 64>}, {pipeline_mode = #tpu.pipeline_mode<synchronous>, transform_indices = @transform_2, window_bounds = array<i64: 1024, 64>}, {transform_indices = @transform_3, window_bounds = array<i64: 1, 2, 8, 128>}, {pipeline_mode = #tpu.pipeline_mode<synchronous>, transform_indices = @transform_4, window_bounds = array<i64: 1, 1>}]} {
    %get3A = arith.constant 0 : index
    %get3A_0 = arith.constant 0 : index
    %get3A_1 = vector.load %arg2[%get3A, %get3A_0] : memref<1024x64xf32, #tpu.memory_space<vmem>>, vector<1024x64xf32>
    %mul3A = arith.mulf %get3A_1, %get3A_1 : vector<1024x64xf32>
    %reduce_sum3A = arith.constant dense<0.000000e+00> : vector<1024xf32>
    %reduce_sum3A_2 = vector.multi_reduction <add>, %mul3A, %reduce_sum3A [1] : vector<1024x64xf32> to vector<1024xf32>
    %broadcast_in_dim3A = vector.shape_cast %reduce_sum3A_2 : vector<1024xf32> to vector<1024x1xf32>
    %get3A_3 = arith.constant 0 : index
    %get3A_4 = arith.constant 0 : index
    %get3A_5 = vector.load %arg3[%get3A_3, %get3A_4] : memref<1024x64xf32, #tpu.memory_space<vmem>>, vector<1024x64xf32>
    %get3A_6 = arith.constant 0 : index
    %get3A_7 = arith.constant 0 : index
    %get3A_8 = arith.constant 0 : index
    %get3A_9 = vector.load %arg1[%get3A_6, %get3A_7, %get3A_8] : memref<2x64x1024xf32, #tpu.memory_space<vmem>>, vector<1x64x1024xf32>
    %get3A_10 = vector.shape_cast %get3A_9 : vector<1x64x1024xf32> to vector<64x1024xf32>
    %dot_general3A = arith.constant dense<0.000000e+00> : vector<1024x1024xf32>
    %dot_general3A_11 = tpu.matmul %get3A_5, %get3A_10, %dot_general3A {dimension_numbers = #tpu.dot_dimension_numbers<[1], [0], [0], [1], [0, 0, 1, 1], [], []>, transpose_lhs_hint = false} : vector<1024x64xf32>, vector<64x1024xf32>, vector<1024x1024xf32> -> vector<1024x1024xf32>
    %get3A_12 = arith.constant 0 : index
    %get3A_13 = arith.constant 0 : index
    %get3A_14 = vector.load %arg3[%get3A_12, %get3A_13] : memref<1024x64xf32, #tpu.memory_space<vmem>>, vector<1024x64xf32>
    %get3A_15 = arith.constant 1 : index
    %get3A_16 = arith.constant 0 : index
    %get3A_17 = arith.constant 0 : index
    %get3A_18 = vector.load %arg1[%get3A_15, %get3A_16, %get3A_17] : memref<2x64x1024xf32, #tpu.memory_space<vmem>>, vector<1x64x1024xf32>
    %get3A_19 = vector.shape_cast %get3A_18 : vector<1x64x1024xf32> to vector<64x1024xf32>
    %dot_general3A_20 = arith.constant dense<0.000000e+00> : vector<1024x1024xf32>
    %dot_general3A_21 = tpu.matmul %get3A_14, %get3A_19, %dot_general3A_20 {dimension_numbers = #tpu.dot_dimension_numbers<[1], [0], [0], [1], [0, 0, 1, 1], [], []>, transpose_lhs_hint = false} : vector<1024x64xf32>, vector<64x1024xf32>, vector<1024x1024xf32> -> vector<1024x1024xf32>
    %get3A_22 = arith.constant 0 : index
    %get3A_23 = arith.constant 0 : index
    %get3A_24 = arith.constant 0 : index
    %get3A_25 = vector.load %arg1[%get3A_22, %get3A_23, %get3A_24] : memref<2x64x1024xf32, #tpu.memory_space<vmem>>, vector<1x64x1024xf32>
    %get3A_26 = vector.shape_cast %get3A_25 : vector<1x64x1024xf32> to vector<64x1024xf32>
    %mul3A_27 = arith.mulf %get3A_26, %get3A_26 : vector<64x1024xf32>
    %reduce_sum3A_28 = arith.constant dense<0.000000e+00> : vector<1024xf32>
    %reduce_sum3A_29 = vector.multi_reduction <add>, %mul3A_27, %reduce_sum3A_28 [0] : vector<64x1024xf32> to vector<1024xf32>
    %broadcast_in_dim3A_30 = vector.shape_cast %reduce_sum3A_29 : vector<1024xf32> to vector<1x1024xf32>
    %add3A = vector.broadcast %broadcast_in_dim3A_30 : vector<1x1024xf32> to vector<1024x1024xf32>
    %add3A_31 = arith.addf %add3A, %dot_general3A_11 : vector<1024x1024xf32>
    %add3A_32 = vector.broadcast %broadcast_in_dim3A : vector<1024x1xf32> to vector<1024x1024xf32>
    %add3A_33 = arith.addf %add3A_31, %add3A_32 : vector<1024x1024xf32>
    %reduce_min3A = arith.constant dense<0x7F800000> : vector<1024xf32>
    %reduce_min3A_34 = vector.multi_reduction <minimumf>, %add3A_33, %reduce_min3A [0] : vector<1024x1024xf32> to vector<1024xf32>
    %broadcast_in_dim3A_35 = vector.shape_cast %reduce_min3A_34 : vector<1024xf32> to vector<1x1024xf32>
    %iota3A = tpu.iota {dimensions = array<i32: 0>} : vector<1024x1024xi32>
    %convert_element_type3A = arith.sitofp %iota3A : vector<1024x1024xi32> to vector<1024x1024xf32>
    %eq3A = vector.broadcast %broadcast_in_dim3A_35 : vector<1x1024xf32> to vector<1024x1024xf32>
    %eq3A_36 = arith.cmpf oeq, %add3A_33, %eq3A : vector<1024x1024xf32>
    %jit3A = arith.constant 1.024000e+03 : f32
    %broadcast_in_dim3A_37 = vector.broadcast %jit3A : f32 to vector<1024x1024xf32>
    %select_n3A = arith.select %eq3A_36, %convert_element_type3A, %broadcast_in_dim3A_37 : vector<1024x1024xi1>, vector<1024x1024xf32>
    %reduce_min3A_38 = arith.constant dense<0x7F800000> : vector<1024xf32>
    %reduce_min3A_39 = vector.multi_reduction <minimumf>, %select_n3A, %reduce_min3A_38 [0] : vector<1024x1024xf32> to vector<1024xf32>
    %broadcast_in_dim3A_40 = vector.shape_cast %reduce_min3A_39 : vector<1024xf32> to vector<1x1024xf32>
    %convert_element_type3A_41 = arith.fptosi %broadcast_in_dim3A_40 : vector<1x1024xf32> to vector<1x1024xi32>
    %reshape3A = vector.shape_cast %convert_element_type3A_41 : vector<1x1024xi32> to vector<8x128xi32>
    %swap3A = arith.constant 0 : index
    %swap3A_42 = arith.constant 0 : index
    %swap3A_43 = arith.constant 0 : index
    %swap3A_44 = arith.constant 0 : index
    %swap3A_45 = vector.load %arg4[%swap3A, %swap3A_42, %swap3A_43, %swap3A_44] : memref<1x2x8x128xi32, #tpu.memory_space<vmem>>, vector<1x1x8x128xi32>
    %swap3A_46 = vector.shape_cast %swap3A_45 : vector<1x1x8x128xi32> to vector<8x128xi32>
    %swap3A_47 = vector.shape_cast %reshape3A : vector<8x128xi32> to vector<1x1x8x128xi32>
    tpu.vector_store %arg4[%swap3A, %swap3A_42, %swap3A_43, %swap3A_44], %swap3A_47 {strides = array<i32>} : memref<1x2x8x128xi32, #tpu.memory_space<vmem>>, vector<1x1x8x128xi32>,
    %reduce_sum3A_48 = vector.shape_cast %broadcast_in_dim3A_35 : vector<1x1024xf32> to vector<1x1x1024xf32>
    %reduce_sum3A_49 = arith.constant dense<0.000000e+00> : vector<1xf32>
    %reduce_sum3A_50 = vector.multi_reduction <add>, %reduce_sum3A_48, %reduce_sum3A_49 [1, 2] : vector<1x1x1024xf32> to vector<1xf32>
    %reduce_sum3A_51 = vector.shape_cast %reduce_sum3A_50 : vector<1xf32> to vector<1x1x1xf32>
    %reduce_sum3A_52 = vector.extract %reduce_sum3A_51[0, 0, 0] : f32 from vector<1x1x1xf32>
    %add3A_53 = arith.constant 0.000000e+00 : f32
    %add3A_54 = arith.addf %add3A_53, %reduce_sum3A_52 : f32
    %get3A_55 = arith.constant 1 : index
    %get3A_56 = arith.constant 0 : index
    %get3A_57 = arith.constant 0 : index
    %get3A_58 = vector.load %arg1[%get3A_55, %get3A_56, %get3A_57] : memref<2x64x1024xf32, #tpu.memory_space<vmem>>, vector<1x64x1024xf32>
    %get3A_59 = vector.shape_cast %get3A_58 : vector<1x64x1024xf32> to vector<64x1024xf32>
    %mul3A_60 = arith.mulf %get3A_59, %get3A_59 : vector<64x1024xf32>
    %reduce_sum3A_61 = arith.constant dense<0.000000e+00> : vector<1024xf32>
    %reduce_sum3A_62 = vector.multi_reduction <add>, %mul3A_60, %reduce_sum3A_61 [0] : vector<64x1024xf32> to vector<1024xf32>
    %broadcast_in_dim3A_63 = vector.shape_cast %reduce_sum3A_62 : vector<1024xf32> to vector<1x1024xf32>
    %add3A_64 = vector.broadcast %broadcast_in_dim3A_63 : vector<1x1024xf32> to vector<1024x1024xf32>
    %add3A_65 = arith.addf %add3A_64, %dot_general3A_21 : vector<1024x1024xf32>
    %add3A_66 = vector.broadcast %broadcast_in_dim3A : vector<1024x1xf32> to vector<1024x1024xf32>
    %add3A_67 = arith.addf %add3A_65, %add3A_66 : vector<1024x1024xf32>
    %reduce_min3A_68 = arith.constant dense<0x7F800000> : vector<1024xf32>
    %reduce_min3A_69 = vector.multi_reduction <minimumf>, %add3A_67, %reduce_min3A_68 [0] : vector<1024x1024xf32> to vector<1024xf32>
    %broadcast_in_dim3A_70 = vector.shape_cast %reduce_min3A_69 : vector<1024xf32> to vector<1x1024xf32>
    %iota3A_71 = tpu.iota {dimensions = array<i32: 0>} : vector<1024x1024xi32>
    %convert_element_type3A_72 = arith.sitofp %iota3A_71 : vector<1024x1024xi32> to vector<1024x1024xf32>
    %eq3A_73 = vector.broadcast %broadcast_in_dim3A_70 : vector<1x1024xf32> to vector<1024x1024xf32>
    %eq3A_74 = arith.cmpf oeq, %add3A_67, %eq3A_73 : vector<1024x1024xf32>
    %jit3A_75 = arith.constant 1.024000e+03 : f32
    %broadcast_in_dim3A_76 = vector.broadcast %jit3A_75 : f32 to vector<1024x1024xf32>
    %select_n3A_77 = arith.select %eq3A_74, %convert_element_type3A_72, %broadcast_in_dim3A_76 : vector<1024x1024xi1>, vector<1024x1024xf32>
    %reduce_min3A_78 = arith.constant dense<0x7F800000> : vector<1024xf32>
    %reduce_min3A_79 = vector.multi_reduction <minimumf>, %select_n3A_77, %reduce_min3A_78 [0] : vector<1024x1024xf32> to vector<1024xf32>
    %broadcast_in_dim3A_80 = vector.shape_cast %reduce_min3A_79 : vector<1024xf32> to vector<1x1024xf32>
    %convert_element_type3A_81 = arith.fptosi %broadcast_in_dim3A_80 : vector<1x1024xf32> to vector<1x1024xi32>
    %reshape3A_82 = vector.shape_cast %convert_element_type3A_81 : vector<1x1024xi32> to vector<8x128xi32>
    %swap3A_83 = arith.constant 0 : index
    %swap3A_84 = arith.constant 1 : index
    %swap3A_85 = arith.constant 0 : index
    %swap3A_86 = arith.constant 0 : index
    %swap3A_87 = vector.load %arg4[%swap3A_83, %swap3A_84, %swap3A_85, %swap3A_86] : memref<1x2x8x128xi32, #tpu.memory_space<vmem>>, vector<1x1x8x128xi32>
    %swap3A_88 = vector.shape_cast %swap3A_87 : vector<1x1x8x128xi32> to vector<8x128xi32>
    %swap3A_89 = vector.shape_cast %reshape3A_82 : vector<8x128xi32> to vector<1x1x8x128xi32>
    tpu.vector_store %arg4[%swap3A_83, %swap3A_84, %swap3A_85, %swap3A_86], %swap3A_89 {strides = array<i32>} : memref<1x2x8x128xi32, #tpu.memory_space<vmem>>, vector<1x1x8x128xi32>,
    %reduce_sum3A_90 = vector.shape_cast %broadcast_in_dim3A_70 : vector<1x1024xf32> to vector<1x1x1024xf32>
    %reduce_sum3A_91 = arith.constant dense<0.000000e+00> : vector<1xf32>
    %reduce_sum3A_92 = vector.multi_reduction <add>, %reduce_sum3A_90, %reduce_sum3A_91 [1, 2] : vector<1x1x1024xf32> to vector<1xf32>
    %reduce_sum3A_93 = vector.shape_cast %reduce_sum3A_92 : vector<1xf32> to vector<1x1x1xf32>
    %reduce_sum3A_94 = vector.extract %reduce_sum3A_93[0, 0, 0] : f32 from vector<1x1x1xf32>
    %add3A_95 = arith.addf %add3A_54, %reduce_sum3A_94 : f32
    %eq3A_96 = arith.constant 0 : i32
    %eq3A_97 = arith.cmpi eq, %arg0, %eq3A_96 : i32
    %convert_element_type3A_98 = arith.extui %eq3A_97 : i1 to i32
    %cond3A = arith.constant 0 : i32
    %cond3A_99 = arith.cmpi ne, %convert_element_type3A_98, %cond3A : i32
    scf.if %cond3A_99 {
      %broadcast_in_dim3A_108 = arith.constant 0.000000e+00 : f32
      %broadcast_in_dim3A_109 = vector.broadcast %broadcast_in_dim3A_108 : f32 to vector<1x1xf32>
      %swap3A_110 = arith.constant 0 : index
      %swap3A_111 = arith.constant 0 : index
      %swap3A_112 = vector.load %arg5[%swap3A_110, %swap3A_111] : memref<1x1xf32, #tpu.memory_space<vmem>>, vector<1x1xf32>
      tpu.vector_store %arg5[%swap3A_110, %swap3A_111], %broadcast_in_dim3A_109 {strides = array<i32>} : memref<1x1xf32, #tpu.memory_space<vmem>>, vector<1x1xf32>,
    } else {
    }
    %get3A_100 = arith.constant 0 : index
    %get3A_101 = arith.constant 0 : index
    %get3A_102 = vector.load %arg5[%get3A_100, %get3A_101] : memref<1x1xf32, #tpu.memory_space<vmem>>, vector<1x1xf32>
    %reshape3A_103 = vector.broadcast %add3A_95 : f32 to vector<1x1xf32>
    %add3A_104 = arith.addf %get3A_102, %reshape3A_103 : vector<1x1xf32>
    %swap3A_105 = arith.constant 0 : index
    %swap3A_106 = arith.constant 0 : index
    %swap3A_107 = vector.load %arg5[%swap3A_105, %swap3A_106] : memref<1x1xf32, #tpu.memory_space<vmem>>, vector<1x1xf32>
    tpu.vector_store %arg5[%swap3A_105, %swap3A_106], %add3A_104 {strides = array<i32>} : memref<1x1xf32, #tpu.memory_space<vmem>>, vector<1x1xf32>,
    return
  }
  func.func @transform_0(%arg0: i32) -> (i32, i32, i32) {
    %c0_i32 = arith.constant 0 : i32
    %c0_i32_0 = arith.constant 0 : i32
    %c0_i32_1 = arith.constant 0 : i32
    return %arg0, %c0_i32, %c0_i32_0 : i32, i32, i32
  }
  func.func @transform_1(%arg0: i32) -> (i32, i32) {
    %c0_i32 = arith.constant 0 : i32
    %c0_i32_0 = arith.constant 0 : i32
    %c0_i32_1 = arith.constant 0 : i32
    return %c0_i32, %c0_i32_0 : i32, i32
  }
  func.func @transform_2(%arg0: i32) -> (i32, i32) {
    %c0_i32 = arith.constant 0 : i32
    %c0_i32_0 = arith.constant 0 : i32
    %c0_i32_1 = arith.constant 0 : i32
    return %c0_i32, %c0_i32_0 : i32, i32
  }
  func.func @transform_3(%arg0: i32) -> (i32, i32, i32, i32) {
    %c0_i32 = arith.constant 0 : i32
    %c0_i32_0 = arith.constant 0 : i32
    %c0_i32_1 = arith.constant 0 : i32
    %c0_i32_2 = arith.constant 0 : i32
    return %arg0, %c0_i32, %c0_i32_0, %c0_i32_1 : i32, i32, i32, i32
  }
  func.func @transform_4(%arg0: i32) -> (i32, i32) {
    %c0_i32 = arith.constant 0 : i32
    %c0_i32_0 = arith.constant 0 : i32
    %c0_i32_1 = arith.constant 0 : i32
    return %c0_i32, %c0_i32_0 : i32, i32
  }
}

</mosaic_0001>

<sc_bundles>
// kernel: kernel.4.cloned.1.call-start
scs
__scs_entry_jumppad:
0x0: {  	(pc) =	sbr.rel $0x88, $3  }
0x1: {  	(tag) =	ssettag $0x0;
	lr =	simm.s32 $0x1  }
0x2: {  	[smem:$0x3F9F] =	sst lr;
	_ =	strace $0xD0000000  }
0x3: {  	_ = 	snop  }
0x4: {  	_ = 	snop  }
0x5: {  	_ = 	snop  }
0x6: {  	_ = 	snop  }
0x7: {  	_ = 	snop  }
__scs_overlays_trampoline_lowered:
0x8: {  	[smem:$0x3FAE] =	sst s0  }
0x9: {  	[smem:$0x3FAF] =	sst s1  }
0xa: {  	[smem:$0x3FB0] =	sst s2  }
0xb: {  	[smem:$0x3FB1] =	sst s3  }
0xc: {  	[smem:$0x3FB2] =	sst s4  }
0xd: {  	[smem:$0x3FB3] =	sst s5  }
0xe: {  	[smem:$0x3FB4] =	sst s6  }
0xf: {  	[smem:$0x3FB5] =	sst s7  }
0x10: {  	[smem:$0x3FB6] =	sst s8  }
0x11: {  	[smem:$0x3FB7] =	sst s9;
	s0 =	simm.s32 @!p0 $0x0  }
0x12: {  	s1 =	sld [smem:$0x3F9D];
	s0 =	simm.s32 @p0 $0x1  }
0x13: {  	[smem:$0x3FB8] =	sst s0;
	s0 =	simm.s32 @!p1 $0x0  }
0x14: {  	s2 =	sld [smem:$0x3F9C];
	s0 =	simm.s32 @p1 $0x1  }
0x15: {  	[smem:$0x3FB9] =	sst s0;
	s0 =	simm.s32 @!p2 $0x0  }
0x16: {  	s3 =	sld [smem:$0x3FDB];
	s0 =	simm.s32 @p2 $0x1  }
0x17: {  	s4 =	simm.s32 $0x1BF5;
	[smem:$0x3FBB] =	sst s0  }
0x18: {  	s0 =	sld [smem:$0x3F9E];
	_ =	swait.ge [sflag:s4], $0x0  }
0x19: {  	s7 =	sld [smem:$0x3F9F]  }
0x1a: {  	s8 =	sadd.s32 $0xFFFFE003, lr  }
0x1b: {  	s9 =	sadd.s32 $0xFFFFFEF7, lr;
	s5 =	simm.s32 $0xFFFFFFFF;
	p2 =	slt.u32 s8, $0xFFFFF086  }
0x1c: {  	p1 =	slt.u32 s9, $0xF7A;
	s5 =	simm.s32 @!p2 $0x0  }
0x1d: {  	s5 =	simm.s32 @p1 $0x1;
	p0 =	seq.s32 s7, s2  }
0x1e: {  	s7 =	smul.u32 @!p0 $0xF7A, s2;
	p2 =	seq.s32 @!p0 s5, $0x0  }
0x1f: {  	s9 =	smul.u32 $0xF7A, s1;
	s8 =	simm.s32 @!p0 $0x1BF5;
	p2 =	por !p2, p0  }
0x20: {  	[sflag:s8] =	ssyncset.s32 @!p0 $0xFFFFF086;
	s6 =	sadd.s32 @!p0 s3, s7;
	s7 =	simm.s32 @!p0 $0x108  }
0x21: {  	s3 =	sadd.s32 s3, s9;
	s6 =	sadd.s32 @!p0 $0x88, s6;
	s7 =	simm.s32 @p2 $0x1082  }
0x22: {  	[simem:s7], [sflag:s8] =	dma.local @!p0 [hbm:s6], $0xF7A  }
0x23: {  	s9 =	sor.u32 $0xD0000000, s2;
	s6 =	simm.s32 $0x108;
	_ =	swait.ge @!p0 [sflag:s8], $0x0  }
0x24: {  	s3 =	sadd.s32 $0x88, s3;
	s6 =	simm.s32 @!p1 $0x1082;
	[sflag:s4] =	ssyncset.s32 $0xFFFFF086  }
0x25: {  	[simem:s6], [sflag:s4] =	dma.local [hbm:s3], $0xF7A  }
0x26: {  	[smem:$0x3F9F] =	sst s1;
	(tag) =	ssettag s2;
	_ =	strace s9  }
0x27: {  	s1 =	sld [smem:$0x3FAF]  }
0x28: {  	s2 =	sld [smem:$0x3FB0]  }
0x29: {  	s4 =	sld [smem:$0x3FB2]  }
0x2a: {  	p0 =	seq.s32 s5, $0x0;
	s5 =	sld [smem:$0x3FB3]  }
0x2b: {  	s6 =	sld [smem:$0x3FB4]  }
0x2c: {  	s7 =	sld [smem:$0x3FB5]  }
0x2d: {  	s3 =	simm.s32 $0x108;
	s8 =	sld [smem:$0x3FB6]  }
0x2e: {  	s3 =	simm.s32 @!p0 $0x1082;
	s9 =	sld [smem:$0x3FB7]  }
0x2f: {  	lr =	sadd.s32 s0, s3;
	s0 =	sld [smem:$0x3FAE]  }
0x30: {  	s3 =	sld [smem:$0x3FB1]  }
0x31: {  	[smem:$0x3FBA] =	sst s10  }
0x32: {  	s10 =	sld [smem:$0x3FB8];
	_ =	sdelay $0x3  }
0x33: {  	p0 =	seq.s32 s10, $0x1;
	s10 =	sld [smem:$0x3FBA];
	_ =	sdelay $0x3  }
0x34: {  	[smem:$0x3FBA] =	sst s10  }
0x35: {  	s10 =	sld [smem:$0x3FB9];
	_ =	sdelay $0x3  }
0x36: {  	p1 =	seq.s32 s10, $0x1;
	s10 =	sld [smem:$0x3FBA];
	_ =	sdelay $0x3  }
0x37: {  	[smem:$0x3FBA] =	sst s10  }
0x38: {  	s10 =	sld [smem:$0x3FBB]  }
0x39: {  	_ = 	snop;
	(pc) =	sbr.ind lr, $3  }
0x3a: {  	_ = 	snop  }
0x3b: {  	_ = 	snop  }
0x3c: {  	p2 =	seq.s32 s10, $0x1;
	s10 =	sld [smem:$0x3FBA]  }
0x3d: {  	_ =	shalt  }
0x3e: {  	_ =	shalt  }
0x3f: {  	_ =	shalt  }
0x40: {  	_ =	shalt  }
0x41: {  	_ =	shalt  }
0x42: {  	_ =	shalt  }
0x43: {  	_ =	shalt  }
0x44: {  	_ =	shalt  }
0x45: {  	_ =	shalt  }
0x46: {  	_ =	shalt  }
0x47: {  	_ =	shalt  }
0x48: {  	_ =	shalt  }
0x49: {  	_ =	shalt  }
0x4a: {  	_ =	shalt  }
0x4b: {  	_ =	shalt  }
0x4c: {  	_ =	shalt  }
0x4d: {  	_ =	shalt  }
0x4e: {  	_ =	shalt  }
0x4f: {  	_ =	shalt  }
0x50: {  	_ =	shalt  }
0x51: {  	_ =	shalt  }
0x52: {  	_ =	shalt  }
0x53: {  	_ =	shalt  }
0x54: {  	_ =	shalt  }
0x55: {  	_ =	shalt  }
0x56: {  	_ =	shalt  }
0x57: {  	_ =	shalt  }
0x58: {  	_ =	shalt  }
0x59: {  	_ =	shalt  }
0x5a: {  	_ =	shalt  }
0x5b: {  	_ =	shalt  }
0x5c: {  	_ =	shalt  }
0x5d: {  	_ =	shalt  }
0x5e: {  	_ =	shalt  }
0x5f: {  	_ =	shalt  }
0x60: {  	_ =	shalt  }
0x61: {  	_ =	shalt  }
0x62: {  	_ =	shalt  }
0x63: {  	_ =	shalt  }
0x64: {  	_ =	shalt  }
0x65: {  	_ =	shalt  }
0x66: {  	_ =	shalt  }
0x67: {  	_ =	shalt  }
0x68: {  	_ =	shalt  }
0x69: {  	_ =	shalt  }
0x6a: {  	_ =	shalt  }
0x6b: {  	_ =	shalt  }
0x6c: {  	_ =	shalt  }
0x6d: {  	_ =	shalt  }
0x6e: {  	_ =	shalt  }
0x6f: {  	_ =	shalt  }
0x70: {  	_ =	shalt  }
0x71: {  	_ =	shalt  }
0x72: {  	_ =	shalt  }
0x73: {  	_ =	shalt  }
0x74: {  	_ =	shalt  }
0x75: {  	_ =	shalt  }
0x76: {  	_ =	shalt  }
0x77: {  	_ =	shalt  }
0x78: {  	_ =	shalt  }
0x79: {  	_ =	shalt  }
0x7a: {  	_ =	shalt  }
0x7b: {  	_ =	shalt  }
0x7c: {  	_ =	shalt  }
0x7d: {  	_ =	shalt  }
0x7e: {  	_ =	shalt  }
0x7f: {  	_ =	shalt  }
0x80: {  	_ =	shalt  }
0x81: {  	_ =	shalt  }
0x82: {  	_ =	shalt  }
0x83: {  	_ =	shalt  }
0x84: {  	_ =	shalt  }
0x85: {  	_ =	shalt  }
0x86: {  	_ =	shalt  }
0x87: {  	_ =	shalt  }
.Lfunc_end0:
.L_simem_size_0:
called_computation_lowered:
.L_overlay_start_0:
0x88: {  	s2 =	sld [smem:$0x3FD9]  }
0x89: {  	s3 =	sld [smem:$0x3FFE];
	_ =	sdelay $0x1  }
0x8a: {  	s1 =	srdreg.scid  }
0x8b: {  	s0 =	sand.u32 $0x1, s1  }
0x8c: {  	s14 =	sshll.u32 s0, $0xA;
	s2 =	sadd.s32 s3, s2  }
0x8d: {  	s2 =	sadd.s32 s2, s14  }
0x8e: {  	[smem:$0x3FC6] =	sst s2  }
0x8f: {  	_ = 	snop  }
0x90: {  	s2 =	sld [smem:$0x3FD0];
	_ =	sdelay $0x2  }
0x91: {  	s15 =	simm.s32 $0xA;
	s4 =	simm.s32 $0x10  }
0x92: {  	[smem:s4], [sflag:s15] =	dma.local [hbm:s2], $0x1  }
0x93: {  	_ =	swait.eq [sflag:s15], $0x1  }
0x94: {  	[sflag:s15] =	ssyncset.done $0x0  }
0x95: {  	[sflag:s15] =	ssyncadd.s32 $0xFFFFFFFF  }
0x96: {  	s16 =	sld [smem:$0x10];
	(tm) =	ssettm $0x1  }
0x97: {  	s17 =	sld [smem:$0x3FFB];
	_ =	sdelay $0x3  }
0x98: {  	_ =	strace s17  }
0x99: {  	s3 =	sld [smem:$0x3FFC];
	_ =	sdelay $0x3  }
0x9a: {  	_ =	strace s3  }
0x9b: {  	s3 =	sld [smem:$0x3FFD];
	_ =	sdelay $0x3  }
0x9c: {  	_ =	strace s3  }
0x9d: {  	_ =	strace $0x8FFFFFFF  }
0x9e: {  	s18 =	sld [smem:$0x3FDB];
	_ =	sdelay $0x1  }
0x9f: {  	s19 =	simm.s32 $_scs_section_size  }
0xa0: {  	s5 =	simm.s32 $_size__tile_overlayer_lowered;
	s6 =	simm.s32 $_tile_overlayer_lowered  }
0xa1: {  	s22 =	simm.s32 $0x1BFF;
	s21 =	sshll.u32 s6, $0x1;
	s3 =	sadd.s32 s19, s18  }
0xa2: {  	s7 =	simm.s32 $0x0;
	s20 =	sshll.u32 s5, $0x1;
	s5 =	sadd.s32 s21, s3  }
0xa3: {  	[timem:s7], [sflag:s22] =	dma.local [hbm:s5], s20  }
0xa4: {  	_ =	swait.ge [sflag:s22], s20  }
0xa5: {  	s4 =	ssub.s32 $0x0, s20;
	[sflag:s22] =	ssyncset.done $0x0  }
0xa6: {  	[sflag:s22] =	ssyncadd.s32 s4;
	_ =	sdelay $0x1  }
0xa7: {  	s23 =	simm.s32 $0x1B8B  }
0xa8: {  	_ =	swait.ge [sflag:s23], $0x1  }
0xa9: {  	[sflag:s23] =	ssyncset.done $0x0  }
0xaa: {  	s25 =	simm.s32 $0x1B8E;
	s24 =	sld [smem:$0x3FFE];
	[sflag:s23] =	ssyncadd.s32 $0xFFFFFFFF  }
0xab: {  	s26 =	simm.s32 $execute0_lowered;
	[smem:$0x3FD2] =	sst s25  }
0xac: {  	s5 =	sshll.u32 s26, $0x1;
	_ =	strace $0x80000046;
	[dreg:$0x1] =	wrdreg $0xFFFFFFFF  }
0xad: {  	s28 =	simm.s32 $_size_execute0_lowered;
	s3 =	sadd.s32 s3, s5;
	[dreg:$0x0] =	wrdreg $0x0  }
0xae: {  	s5 =	sshll.u32 s28, $0x1;
	[dreg:$0x2] =	wrdreg s3  }
0xaf: {  	[dreg:$0x3] =	wrdreg s5  }
0xb0: {  	[dreg:$0x4] =	wrdreg $0xC0  }
0xb1: {  	_ =	task [dreg:s7], $0x5FFFF  }
0xb2: {  	[dreg:$0x1] =	wrdreg $0xFFFFFFFF  }
0xb3: {  	[dreg:$0x0] =	wrdreg $0x60  }
0xb4: {  	[dreg:$0x2] =	wrdreg s16  }
0xb5: {  	[dreg:$0x3] =	wrdreg s24  }
0xb6: {  	[dreg:$0x4] =	wrdreg $0x102000  }
0xb7: {  	[dreg:$0x5] =	wrdreg $0x9  }
0xb8: {  	_ =	task.clear_ibuf [dreg:s7], $0x6FFFF;
	_ =	strace $0x90000046  }
0xb9: {  	s29 =	simm.s32 $0x9;
	_ =	strace $0x80000048  }
0xba: {  	_ =	swait.ge [sflag:s29], $0x1  }
0xbb: {  	[sflag:s29] =	ssyncadd.s32 $0xFFFFFFFF  }
0xbc: {  	_ =	strace $0x90000048  }
0xbd: {  	_ =	sfence  }
0xbe: {  	s30 =	sld [smem:$0x0];
	_ =	sdelay $0x2  }
0xbf: {  	s31 =	sshll.u32 s1, $0xD;
	s1 =	sshrl.u32 s1, $0x2  }
0xc0: {  	s3 =	sand.u32 $0x4000, s31;
	s1 =	sadd.s32 s1, s30  }
0xc1: {  	s0 =	sor.u32 s3, s0;
	s1 =	sshll.u32 s1, $0x11  }
0xc2: {  	s0 =	sor.u32 s1, s0  }
0xc3: {  	s0 =	sadd.s32 $0x8F2B, s0  }
0xc4: {  	[sflag:s0] =	ssyncadd.remote.s32 $0x1  }
0xc5: {  	_ =	sfence.sel $0xFFFF  }
0xc6: {  	[dreg:$0x0] =	wrdreg $0xFFFFFFFF;
	(pc) =	sbr.abs _section_cstart, $3  }
0xc7: {  	[dreg:$0x1] =	wrdreg $0xFFFFFFFF  }
0xc8: {  	_ =	task.clear_ibuf [dreg:s7], $0x2FFFF;
	_ =	strace $0x9FFFFFFF  }
0xc9: {  	(tm) =	ssettm $0x7FFFFFFF  }
tec
execute0_lowered:
.L_overlay_start_1:
0x0: {  	(tag) =	ssettag $0x1  }
0x1: {  	s0 =	srdreg.scid;
	s6 =	stileid.u32  }
0x2: {  	s5 =	sand.u32 $0x1, s0;
	s29 =	sshll.u32 s6, $0x1  }
0x3: {  	s7 =	sor.u32 s5, s29  }
0x4: {  	p1 =	seq.s32 s5, $0x1;
	p0 =	seq.s32 s7, $0x0  }
0x5: {  	p0 =	por !p0, !p1  }
0x6: {  	s0 =	simm.s32 $0x1;
	p0 =	por !p0, !p0  }
0x7: {  	s4 =	rddreg [dreg:$0x0];
	s0 =	simm.s32 @!p0 $0x0  }
0x8: {  	s8 =	rddreg [dreg:$0x1];
	s9 =	simm.s32 $0x1;
	s0 =	ssub.s32 s6, s0  }
0x9: {  	s12 =	simm.s32 $0x8200;
	s13 =	simm.s32 $0x180;
	s1 =	sand.u32 $0x80, s0  }
0xa: {  	s14 =	simm.s32 $0xC200;
	s30 =	sshll.u32 s5, $0x9;
	s1 =	sshrl.u32 s1, $0x7  }
0xb: {  	s5 =	ssub.s32 $0x2, s5;
	s7 =	sshll.u32 s7, $0xD;
	s1 =	sadd.s32 s1, s0  }
0xc: {  	s10 =	sshrl.u32 s5, $0x1;
	s7 =	sadd.s32 s7, s8;
	s2 =	sand.u32 $0xFFFFFFFE, s1  }
0xd: {  	s31 =	ssub.s32 s5, s10;
	s10 =	simm.s32 $0x4200;
	s3 =	ssub.s32 s0, s2  }
0xe: {  	p1 =	por $0x0, $0x0;
	p5 =	slt.s32 s0, $0x1;
	p6 =	sne.s32 s3, $0x0  }
0xf: {  	s5 =	sadd.s32 $0x1400, s7;
	s11 =	smax.u32 s31, $0x1;
	p0 =	por !p5, !p6  }
0x10: {  	s7 =	simm.s32 $0x200;
	s18 =	sadd.s32 $0xFFFFFFFF, s11;
	p0 =	por !p0, !p0  }
0x11: {  	s11 =	simm.s32 $0x100;
	s1 =	sshrl.u32 s1, $0x1;
	s9 =	simm.s32 @!p0 $0x0  }
0x12: {  	p2 =	sne.s32 s18, $0x0;
	s3 =	sshll.u32 s3, $0xA;
	s9 =	ssub.s32 s1, s9  }
0x13: {  	s2 =	rddreg [dreg:$0x2];
	s3 =	sand.u32 $0x400, s3;
	s9 =	sshll.u32 s9, $0xB  }
.Ltmp0:
0x14: {  	s0 =	rddreg [dreg:$0x3];
	s3 =	sor.u32 s3, s9;
	(pc) =	sbr.rel @!p2 .LBB2_3-.Ltmp0, $4  }
0x15: {  	p0 =	sne.s32 s6, $0x0;
	s1 =	simm.s32 $0x0;
	s9 =	sor.u32 s30, s3  }
0x16: {  	s6 =	simm.s32 $0x2;
	[smem:$0x7FF] =	sst s1;
	s9 =	sshrl.u32 s9, $0x3  }
0x17: {  	s15 =	sshrl.u32 @!p0 s2, $0x3;
	_ =	strace $0x80000047;
	s9 =	sadd.s32 s9, s8  }
0x18: {  	s3 =	simm.s32 $0x1;
	s8 =	simm.s32 $0x80;
	s9 =	sadd.s32 $0xC00, s9  }
0x19: {  	s16 =	simm.s32 @!p0 $0x1C02;
	s17 =	simm.s32 @!p0 $0x2  }
0x1a: {  	[spmem:s15], [sflag:s16] =	dma.local @!p0 [hbm:s4], $0x4000  }
0x1b: {  	_ =	swait.ge @!p0 [sflag:s17], $0x4000  }
0x1c: {  	[sflag:s17] =	ssyncset.done @!p0 $0x0  }
0x1d: {  	[sflag:s17] =	ssyncadd.s32 @!p0 $0xFFFFC000  }
0x1e: {  	[tilespmem:s1], [sflag:$0x2] =	stream.linear.gather [hbm4b:s9+s1], $0x200, $0x38;
	[tilespmem:$0x12200] =	vst v63  }
0x1f: {  	_ =	swait.ge [sflag:s6], $0x200  }
0x20: {  	[sflag:s6] =	ssyncset.done $0x0  }
0x21: {  	[sflag:s6] =	ssyncadd.s32 $0xFFFFFE00  }
0x22: {  	[bflag:$0x0] =	sbarrier.arrive $0xFFFF  }
0x23: {  	[tilespmem:s7], [sflag:$0x1] =	stream.indirect.gather [spmem:s2], $0x80, s1, s8, $0xb8;
	[tilespmem:$0x12200] =	vst v63  }
0x24: {  	_ = 	snop  }
0x25: {  	[tilespmem:s10], [sflag:$0x1] =	stream.indirect.gather [spmem:s2], $0x80, s8, s8, $0xb8;
	[tilespmem:$0x12200] =	vst v63  }
0x26: {  	_ = 	snop  }
0x27: {  	[tilespmem:s12], [sflag:$0x1] =	stream.indirect.gather [spmem:s2], $0x80, s11, s8, $0xb8;
	[tilespmem:$0x12200] =	vst v63  }
0x28: {  	_ = 	snop  }
0x29: {  	[tilespmem:s14], [sflag:$0x1] =	stream.indirect.gather [spmem:s2], $0x80, s13, s8, $0xb8;
	[tilespmem:$0x12200] =	vst v63  }
0x2a: {  	_ =	swait.ge [sflag:s3], $0x4000  }
0x2b: {  	[sflag:s3] =	ssyncset.done $0x0  }
0x2c: {  	[sflag:s3] =	ssyncadd.s32 $0xFFFFC000  }
0x2d: {  	_ =	swait.ge [sflag:s3], $0x4000  }
0x2e: {  	[sflag:s3] =	ssyncset.done $0x0  }
0x2f: {  	[sflag:s3] =	ssyncadd.s32 $0xFFFFC000  }
0x30: {  	_ =	swait.ge [sflag:s3], $0x4000  }
0x31: {  	[sflag:s3] =	ssyncset.done $0x0  }
0x32: {  	s18 =	sadd.s32 $0xFFFFFFFF, s18;
	[sflag:s3] =	ssyncadd.s32 $0xFFFFC000  }
0x33: {  	p2 =	sne.s32 s18, $0x0;
	_ =	swait.ge [sflag:s3], $0x4000  }
.Ltmp1:
0x34: {  	[sflag:s3] =	ssyncset.done $0x0;
	(pc) =	sbr.rel @!p2 .LBB2_3-.Ltmp1, $4  }
0x35: {  	[sflag:s3] =	ssyncadd.s32 $0xFFFFC000  }
0x36: {  	[hbm4b:s5+s1] =	stream.linear.scatter [tilespmem:s7], [sflag:$0x2], $0x10000, $0x38;
	[tilespmem:$0x12200] =	vst v63  }
0x37: {  	_ =	swait.ge [sflag:s6], $0x10000  }
0x38: {  	p1 =	por $0x1, $0x1;
	[sflag:s6] =	ssyncset.done $0x0  }
.LBB2_2:
0x39: {  	[sflag:s6] =	ssyncadd.s32 $0xFFFF0000  }
0x3a: {  	[spmem:s15], [sflag:s16] =	dma.local @!p0 [hbm:s4], $0x4000  }
0x3b: {  	s18 =	sadd.s32 $0xFFFFFFFF, s18;
	_ =	swait.ge @!p0 [sflag:s17], $0x4000  }
0x3c: {  	p2 =	sne.s32 s18, $0x0;
	[sflag:s17] =	ssyncset.done @!p0 $0x0  }
0x3d: {  	[sflag:s17] =	ssyncadd.s32 @!p0 $0xFFFFC000  }
0x3e: {  	[tilespmem:s1], [sflag:$0x2] =	stream.linear.gather [hbm4b:s9+s1], $0x200, $0x38;
	[tilespmem:$0x12200] =	vst v63  }
0x3f: {  	_ =	swait.ge [sflag:s6], $0x200  }
0x40: {  	[sflag:s6] =	ssyncset.done $0x0  }
0x41: {  	[sflag:s6] =	ssyncadd.s32 $0xFFFFFE00  }
0x42: {  	[bflag:$0x0] =	sbarrier.arrive $0xFFFF  }
0x43: {  	[tilespmem:s7], [sflag:$0x1] =	stream.indirect.gather [spmem:s2], $0x80, s1, s8, $0xb8;
	[tilespmem:$0x12200] =	vst v63  }
0x44: {  	_ = 	snop  }
0x45: {  	[tilespmem:s10], [sflag:$0x1] =	stream.indirect.gather [spmem:s2], $0x80, s8, s8, $0xb8;
	[tilespmem:$0x12200] =	vst v63  }
0x46: {  	_ = 	snop  }
0x47: {  	[tilespmem:s12], [sflag:$0x1] =	stream.indirect.gather [spmem:s2], $0x80, s11, s8, $0xb8;
	[tilespmem:$0x12200] =	vst v63  }
0x48: {  	_ = 	snop  }
0x49: {  	[tilespmem:s14], [sflag:$0x1] =	stream.indirect.gather [spmem:s2], $0x80, s13, s8, $0xb8;
	[tilespmem:$0x12200] =	vst v63  }
0x4a: {  	_ =	swait.ge [sflag:s3], $0x4000  }
0x4b: {  	[sflag:s3] =	ssyncset.done $0x0  }
0x4c: {  	[sflag:s3] =	ssyncadd.s32 $0xFFFFC000  }
0x4d: {  	_ =	swait.ge [sflag:s3], $0x4000  }
0x4e: {  	[sflag:s3] =	ssyncset.done $0x0  }
0x4f: {  	[sflag:s3] =	ssyncadd.s32 $0xFFFFC000  }
0x50: {  	_ =	swait.ge [sflag:s3], $0x4000  }
0x51: {  	[sflag:s3] =	ssyncset.done $0x0  }
0x52: {  	[sflag:s3] =	ssyncadd.s32 $0xFFFFC000  }
0x53: {  	_ =	swait.ge [sflag:s3], $0x4000  }
.Ltmp2:
0x54: {  	[sflag:s3] =	ssyncset.done $0x0;
	(pc) =	sbr.rel @p2 .LBB2_2-.Ltmp2, $4  }
0x55: {  	[sflag:s3] =	ssyncadd.s32 $0xFFFFC000  }
0x56: {  	[hbm4b:s5+s1] =	stream.linear.scatter [tilespmem:s7], [sflag:$0x2], $0x10000, $0x38;
	[tilespmem:$0x12200] =	vst v63  }
0x57: {  	_ =	swait.ge [sflag:s6], $0x10000  }
0x58: {  	[sflag:s6] =	ssyncset.done $0x0  }
.LBB2_3:
0x59: {  	s16 =	simm.s32 @!p0 $0x1C02;
	s17 =	simm.s32 @!p0 $0x2;
	[sflag:s6] =	ssyncadd.s32 @p1 $0xFFFF0000  }
0x5a: {  	[spmem:s15], [sflag:s16] =	dma.local @!p0 [hbm:s4], $0x4000  }
0x5b: {  	_ =	swait.ge @!p0 [sflag:s17], $0x4000  }
0x5c: {  	[sflag:s17] =	ssyncset.done @!p0 $0x0  }
0x5d: {  	[sflag:s17] =	ssyncadd.s32 @!p0 $0xFFFFC000  }
0x5e: {  	[tilespmem:s1], [sflag:$0x2] =	stream.linear.gather [hbm4b:s9+s1], $0x200, $0x38;
	[tilespmem:$0x12200] =	vst v63  }
0x5f: {  	_ =	swait.ge [sflag:s6], $0x200  }
0x60: {  	[sflag:s6] =	ssyncset.done $0x0  }
0x61: {  	[sflag:s6] =	ssyncadd.s32 $0xFFFFFE00  }
0x62: {  	[bflag:$0x0] =	sbarrier.arrive $0xFFFF  }
0x63: {  	[tilespmem:s7], [sflag:$0x1] =	stream.indirect.gather [spmem:s2], $0x80, s1, s8, $0xb8;
	[tilespmem:$0x12200] =	vst v63  }
0x64: {  	_ = 	snop  }
0x65: {  	[tilespmem:s10], [sflag:$0x1] =	stream.indirect.gather [spmem:s2], $0x80, s8, s8, $0xb8;
	[tilespmem:$0x12200] =	vst v63  }
0x66: {  	_ = 	snop  }
0x67: {  	[tilespmem:s12], [sflag:$0x1] =	stream.indirect.gather [spmem:s2], $0x80, s11, s8, $0xb8;
	[tilespmem:$0x12200] =	vst v63  }
0x68: {  	_ = 	snop  }
0x69: {  	[tilespmem:s14], [sflag:$0x1] =	stream.indirect.gather [spmem:s2], $0x80, s13, s8, $0xb8;
	[tilespmem:$0x12200] =	vst v63  }
0x6a: {  	_ =	swait.ge [sflag:s3], $0x4000  }
0x6b: {  	[sflag:s3] =	ssyncset.done $0x0  }
0x6c: {  	[sflag:s3] =	ssyncadd.s32 $0xFFFFC000  }
0x6d: {  	_ =	swait.ge [sflag:s3], $0x4000  }
0x6e: {  	[sflag:s3] =	ssyncset.done $0x0  }
0x6f: {  	[sflag:s3] =	ssyncadd.s32 $0xFFFFC000  }
0x70: {  	_ =	swait.ge [sflag:s3], $0x4000  }
0x71: {  	[sflag:s3] =	ssyncset.done $0x0  }
0x72: {  	[sflag:s3] =	ssyncadd.s32 $0xFFFFC000  }
0x73: {  	_ =	swait.ge [sflag:s3], $0x4000  }
0x74: {  	[sflag:s3] =	ssyncset.done $0x0  }
0x75: {  	[sflag:s3] =	ssyncadd.s32 $0xFFFFC000  }
0x76: {  	[hbm4b:s5+s1] =	stream.linear.scatter [tilespmem:s7], [sflag:$0x2], $0x10000, $0x38;
	[tilespmem:$0x12200] =	vst v63  }
0x77: {  	_ =	swait.ge [sflag:s6], $0x10000  }
0x78: {  	[sflag:s6] =	ssyncset.done $0x0  }
0x79: {  	[sflag:s6] =	ssyncadd.s32 $0xFFFF0000  }
0x7a: {  	_ =	sfence.sel $0x180000  }
0x7b: {  	[bflag:$0x0] =	sbarrier.arrive $0xFFFF  }
0x7c: {  	_ =	strace $0x90000047  }
0x7d: {  	s0 =	sadd.s32 @!p0 $0x100000, s0;
	[bflag:$0x2] =	sbarrier.arrive $0xFFFF  }
0x7e: {  	[sflag:s0] =	ssyncadd.tile.s32 @!p0 $0x1;
	_ =	shalt  }
.Lfunc_end2:
_tile_overlayer_lowered:
.L_overlay_start_2:
0x7f: {  	(tag) =	ssettag $0x2  }
0x80: {  	s0 =	rddreg [dreg:$0x0];
	s2 =	stileid.u32  }
0x81: {  	s1 =	rddreg [dreg:$0x1];
	p0 =	sne.s32 s2, $0x0  }
0x82: {  	s3 =	rddreg [dreg:$0x2];
	[bflag:$0x3] =	sbarrier.arrive $0xFFFF;
	s2 =	simm.s32 @!p0 $0x1C02  }
0x83: {  	[timem:s3], [sflag:s2] =	dma.local @!p0 [hbm:s0], s1  }
0x84: {  	s0 =	simm.s32 @!p0 $0x2  }
0x85: {  	_ =	swait.ge @!p0 [sflag:s0], s1  }
0x86: {  	s1 =	ssub.s32 @!p0 $0x0, s1;
	[sflag:s0] =	ssyncset.done @!p0 $0x0  }
0x87: {  	[sflag:s0] =	ssyncadd.s32 @!p0 s1  }
0x88: {  	[bflag:$0x3] =	sbarrier.arrive $0xFFFF  }
0x89: {  	_ =	shalt  }

</sc_bundles>
